<compile_context>
chip_gen: v7x
topology: tpu7x:2x2x1
jax: 0.10.2.dev20260603
libtpu: 0.0.44.dev20260713+nightly
codegen_flags: <defaults>
</compile_context>

<pallas_src>
import functools

import jax
import jax.numpy as jnp
from jax import lax
from jax.experimental import pallas as pl
from jax.experimental.pallas import tpu as pltpu
from jax.experimental.pallas import tpu_sc as plsc

DENSE_N = 13
SPARSE_F = 26
VOCAB = 1000
EMB = 8
HID = 256
SEQ_N = 16
SEQ_LEN = 30
EXPERTS = 8
CHUNK = HID // EXPERTS

BB = 1024
PACK = 16
NC, NS = 2, 16
NW = NC * NS


def _sc_gather_call(emb2, emb1, idx_flat, n_idx):
    rows_per_w = n_idx // NW
    mesh = plsc.VectorSubcoreMesh(core_axis_name="c", subcore_axis_name="s")

    @functools.partial(
        pl.kernel, mesh=mesh,
        out_type=(jax.ShapeDtypeStruct((n_idx, EMB), jnp.float32),
                  jax.ShapeDtypeStruct((n_idx,), jnp.float32)),
        compiler_params=pltpu.CompilerParams(use_tc_tiling_on_sc=False,
                                             needs_layout_passes=False),
        scratch_types=[
            pltpu.VMEM((rows_per_w,), jnp.int32),
            pltpu.VMEM((rows_per_w, EMB), jnp.float32),
            pltpu.VMEM((rows_per_w,), jnp.float32),
            pltpu.VMEM((SPARSE_F * VOCAB,), jnp.float32),
            pltpu.SemaphoreType.DMA,
        ],
    )
    def _k(emb2_hbm, emb1_hbm, idx_hbm, out2_hbm, out1_hbm,
           idx_v, rows2_v, out1_v, emb1_v, sem2):
        wid = lax.axis_index("s") * NC + lax.axis_index("c")
        base = wid * rows_per_w
        pltpu.sync_copy(idx_hbm.at[pl.ds(base, rows_per_w)], idx_v)
        c2 = pltpu.async_copy(emb2_hbm.at[idx_v], rows2_v, sem2)
        pltpu.sync_copy(emb1_hbm, emb1_v)

        def _body(i, _):
            iv = idx_v[pl.ds(i * 16, 16)]
            out1_v[pl.ds(i * 16, 16)] = plsc.load_gather(emb1_v, [iv])
            return 0

        lax.fori_loop(0, rows_per_w // 16, _body, 0)
        c2.wait()
        pltpu.sync_copy(rows2_v, out2_hbm.at[pl.ds(base, rows_per_w)])
        pltpu.sync_copy(out1_v, out1_hbm.at[pl.ds(base, rows_per_w)])

    return _k(emb2, emb1, idx_flat)


def _tc_kernel(datap_ref, emb1v_ref, vflat_ref, xw_ref,
               lin_w_ref, lin_b_ref, sel_ref,
               dnn_w0_ref, dnn_b0_ref, dnn_w1_ref, dnn_b1_ref,
               dnn_w2_ref, dnn_b2_ref,
               ww0_ref, b0_ref, w1cat_ref, b1_ref, wres_ref, bres_ref,
               fuse_w_ref, fb_ref, gaw_ref, gab_ref,
               gbxw_ref, gbxb_ref, gbsw_ref, gbsb_ref,
               outsel_ref, outb_ref,
               out_ref, smax_ref, smoid_ref):
    f32 = jnp.float32
    dot = functools.partial(jnp.dot, preferred_element_type=f32)
    dot_hi = functools.partial(jnp.dot, preferred_element_type=f32,
                               precision=jax.lax.Precision.HIGHEST)

    x = vflat_ref[...]
    sv = dot_hi(x, sel_ref[...])
    svq = dot_hi(x * x, sel_ref[...])
    second = 0.5 * (sv * sv - svq).sum(axis=-1, keepdims=True)
    densex = datap_ref[...][:, :DENSE_N]
    first = (dot(densex, lin_w_ref[...]) + lin_b_ref[...]
             + emb1v_ref[...].sum(axis=-1, keepdims=True))
    h = jnp.maximum(dot(x, dnn_w0_ref[...]) + dnn_b0_ref[...], 0.0)
    h = jnp.maximum(dot(h, dnn_w1_ref[...]) + dnn_b1_ref[...], 0.0)
    dnn = dot(h, dnn_w2_ref[...]) + dnn_b2_ref[...]
    p_e = (dnn + first) + second

    xw = xw_ref[...]
    h27 = jnp.maximum(dot(xw[:, 0:48], ww0_ref[...]) + b0_ref[...], 0.0)
    h28 = jnp.maximum(dot(xw[:, 16:64], ww0_ref[...]) + b0_ref[...], 0.0)
    h29 = jnp.maximum(dot(xw[:, 32:80], ww0_ref[...]) + b0_ref[...], 0.0)
    hcat = jnp.concatenate([h27, h28, h29], axis=1)
    h1 = jnp.maximum(dot(hcat, w1cat_ref[...]) + b1_ref[...], 0.0)
    res = dot(xw[:, 64:80], wres_ref[...]) + bres_ref[...]
    s_e = jnp.maximum(h1 + res, 0.0)

    cat = jnp.concatenate([s_e, p_e], axis=1)
    e = jnp.maximum(dot(cat, fuse_w_ref[...]) + fb_ref[...], 0.0)
    g_emb = jnp.tanh(dot(e, gaw_ref[...]) + gab_ref[...])
    g = dot(g_emb, gbxw_ref[...]) + gbxb_ref[...]
    gs = dot(g_emb, gbsw_ref[...]) + gbsb_ref[...]

    m = g.max(axis=-1, keepdims=True)
    ex = jnp.exp(g - m)
    smax_ref[...] = ex / ex.sum(axis=-1, keepdims=True)
    smoid_ref[...] = 1.0 / (1.0 + jnp.exp(-gs))

    iota = jax.lax.broadcasted_iota(jnp.int32, g.shape, 1)
    cand = jnp.where(g == m, iota, EXPERTS)
    fi = cand.min(axis=-1, keepdims=True)
    onehot = (iota == fi).astype(f32)
    chsum = dot(e, outsel_ref[...])
    out_ref[...] = ((chsum * onehot).sum(axis=-1, keepdims=True)
                    + outb_ref[...])


def kernel(data_p, data_stamp, data_s, params):
    del data_stamp
    p = params
    B = data_p.shape[0]
    f32 = jnp.float32

    n_idx = B * SPARSE_F
    idx_flat = (data_p[:, DENSE_N:].astype(jnp.int32).reshape(n_idx)
                + (jnp.arange(n_idx, dtype=jnp.int32) % SPARSE_F) * VOCAB)
    rows2, rows1 = _sc_gather_call(p['emb2'], p['emb1'][:, 0],
                                   idx_flat, n_idx)
    vflat = rows2.reshape(B, SPARSE_F * EMB)
    emb1v = rows1.reshape(B, SPARSE_F)

    w0 = p['tcn_w0']
    ww0 = jnp.concatenate([w0[:, :, k].T for k in range(3)], axis=0)
    w1 = p['tcn_w1']
    w1cat = jnp.concatenate([w1[:, :, k].T for k in range(3)], axis=0)
    wres = p['tcn_wres'][:, :, 0].T

    xw = (data_s[:, :, SEQ_LEN - 5:].transpose(0, 2, 1)
          .reshape(B, 5 * SEQ_N))

    sel = jnp.tile(jnp.eye(EMB, dtype=f32), (SPARSE_F, 1))
    outsel = jnp.repeat(jnp.eye(EXPERTS, dtype=f32), CHUNK, axis=0) * p['out_w']

    row = lambda v: v.reshape(1, -1)
    weights = [
        p['lin_w'], row(p['lin_b']), sel,
        p['dnn_w0'], row(p['dnn_b0']), p['dnn_w1'], row(p['dnn_b1']),
        p['dnn_w2'], row(p['dnn_b2']),
        ww0, row(p['tcn_b0']), w1cat, row(p['tcn_b1']), wres, row(p['tcn_bres']),
        p['fuse_w'], row(p['fuse_b']),
        p['ga_w'], row(p['ga_b']),
        p['gb_smax_w'], row(p['gb_smax_b']),
        p['gb_smoid_w'], row(p['gb_smoid_b']),
        outsel, row(p['out_b']),
    ]

    grid = (B // BB,)
    data_spec = lambda d: pl.BlockSpec((BB, d), lambda i: (i, 0))
    w_spec = lambda w: pl.BlockSpec(w.shape, lambda i: (0, 0))

    out, smax, smoid = pl.pallas_call(
        _tc_kernel,
        grid=grid,
        in_specs=([data_spec(DENSE_N + SPARSE_F), data_spec(SPARSE_F),
                   data_spec(SPARSE_F * EMB), data_spec(5 * SEQ_N)]
                  + [w_spec(w) for w in weights]),
        out_specs=[data_spec(1), data_spec(EXPERTS), data_spec(EXPERTS)],
        out_shape=[jax.ShapeDtypeStruct((B, 1), f32),
                   jax.ShapeDtypeStruct((B, EXPERTS), f32),
                   jax.ShapeDtypeStruct((B, EXPERTS), f32)],
    )(data_p, emb1v, vflat, xw, *weights)
    return out, smax, smoid

# --- scband reference (transcript-rebuilt; emitter-appended) ---
"""Pipeline reference for scband-clvbase-75282186764626 (READ-ONLY COPY).

The authoritative reference and input builder live on the scoring server;
editing this copy changes nothing except your own understanding.
"""

import jax, jax.numpy as jnp
import numpy as np

DENSE_N = 13
SPARSE_F = 26
VOCAB = 1000
EMB = 8
HID = 256
NEMB = 256
SEQ_N = 16
SEQ_LEN = 30
NOUT = 1
EXPERTS = 8
BATCH = 4096


def _glorot(key, shape):
    lim = np.sqrt(6.0 / (shape[0] + shape[1]))
    return jax.random.uniform(key, shape, minval=-lim, maxval=lim, dtype=jnp.float32)


def setup_inputs(seed: int = 0) -> dict:
    key = jax.random.key(seed)
    ks = jax.random.split(key, 24)
    data_p_sparse = jax.random.randint(ks[0], (BATCH, SPARSE_F), 0, VOCAB, dtype=jnp.int32).astype(jnp.float32)
    data_p_dense = jax.random.normal(ks[1], (BATCH, DENSE_N), dtype=jnp.float32)
    data_p = jnp.concatenate([data_p_dense, data_p_sparse], axis=1)
    data_stamp = jax.random.normal(ks[2], (BATCH, SEQ_LEN, 4), dtype=jnp.float32)
    data_s = jax.random.normal(ks[3], (BATCH, SEQ_N, SEQ_LEN), dtype=jnp.float32)
    params = {
        'emb1': jax.random.normal(ks[4], (SPARSE_F * VOCAB, 1), dtype=jnp.float32) * 0.01,
        'emb2': jax.random.normal(ks[5], (SPARSE_F * VOCAB, EMB), dtype=jnp.float32) * 0.01,
        'lin_w': _glorot(ks[6], (DENSE_N, 1)), 'lin_b': jnp.zeros((1,), dtype=jnp.float32),
        'dnn_w0': _glorot(ks[7], (SPARSE_F * EMB, HID)), 'dnn_b0': jnp.zeros((HID,), dtype=jnp.float32),
        'dnn_w1': _glorot(ks[8], (HID, HID)), 'dnn_b1': jnp.zeros((HID,), dtype=jnp.float32),
        'dnn_w2': _glorot(ks[9], (HID, NEMB)), 'dnn_b2': jnp.zeros((NEMB,), dtype=jnp.float32),
        'tcn_w0': jax.random.normal(ks[10], (HID, SEQ_N, 3), dtype=jnp.float32) * 0.05, 'tcn_b0': jnp.zeros((HID,), dtype=jnp.float32),
        'tcn_w1': jax.random.normal(ks[11], (HID, HID, 3), dtype=jnp.float32) * 0.05, 'tcn_b1': jnp.zeros((HID,), dtype=jnp.float32),
        'tcn_wres': jax.random.normal(ks[12], (HID, SEQ_N, 1), dtype=jnp.float32) * 0.05, 'tcn_bres': jnp.zeros((HID,), dtype=jnp.float32),
        'fuse_w': _glorot(ks[13], (2 * HID, HID)), 'fuse_b': jnp.zeros((HID,), dtype=jnp.float32),
        'out_w': _glorot(ks[14], (HID, NOUT)), 'out_b': jnp.zeros((NOUT,), dtype=jnp.float32),
        'ga_w': _glorot(ks[15], (HID, HID)), 'ga_b': jnp.zeros((HID,), dtype=jnp.float32),
        'gb_smax_w': _glorot(ks[16], (HID, EXPERTS)), 'gb_smax_b': jnp.zeros((EXPERTS,), dtype=jnp.float32),
        'gb_smoid_w': _glorot(ks[17], (HID, EXPERTS)), 'gb_smoid_b': jnp.zeros((EXPERTS,), dtype=jnp.float32),
    }
    return {'data_p': data_p, 'data_stamp': data_stamp, 'data_s': data_s, 'params': params}


def _causal_conv(x, w, b, dilation):
    k = w.shape[-1]
    pad = (k - 1) * dilation
    y = jax.lax.conv_general_dilated(x, w, window_strides=(1,), padding=[(pad, 0)],
                                     rhs_dilation=(dilation,),
                                     dimension_numbers=('NCH', 'OIH', 'NCH'))
    return y + b[None, :, None]


def _deepfm(sparse_x, dense_x, p):
    idx = jax.lax.stop_gradient(sparse_x).astype(jnp.int32) + (jnp.arange(SPARSE_F, dtype=jnp.int32) * VOCAB)[None, :]
    first = dense_x @ p['lin_w'] + p['lin_b'] + jnp.take(p['emb1'], idx, axis=0).squeeze(-1).sum(axis=1, keepdims=True)
    v = jnp.take(p['emb2'], idx, axis=0)  # [B, F, EMB]
    sv = v.sum(axis=1)
    svq = (v * v).sum(axis=1)
    second = 0.5 * (sv * sv - svq).sum(axis=-1, keepdims=True)
    h = jax.nn.relu(v.reshape(v.shape[0], -1) @ p['dnn_w0'] + p['dnn_b0'])
    h = jax.nn.relu(h @ p['dnn_w1'] + p['dnn_b1'])
    dnn = h @ p['dnn_w2'] + p['dnn_b2']
    return dnn + first + second


def _tcn(x, p):
    h = jax.nn.relu(_causal_conv(x, p['tcn_w0'], p['tcn_b0'], 1))
    h = jax.nn.relu(_causal_conv(h, p['tcn_w1'], p['tcn_b1'], 1))
    res = _causal_conv(x, p['tcn_wres'], p['tcn_bres'], 1)
    h = jax.nn.relu(h + res)
    return h[:, :, -1]  # [B, HID] last timestep


def _forward(data_p, data_stamp, data_s, p):
    p_e = _deepfm(data_p[:, DENSE_N:], data_p[:, :DENSE_N], p)
    s_e = _tcn(data_s, p)  # data_stamp unused by TCN path
    e = jax.nn.relu(jnp.concatenate([s_e, p_e], axis=-1) @ p['fuse_w'] + p['fuse_b'])
    g_emb = jnp.tanh(e @ p['ga_w'] + p['ga_b'])
    g = g_emb @ p['gb_smax_w'] + p['gb_smax_b']
    g_smoid = g_emb @ p['gb_smoid_w'] + p['gb_smoid_b']
    _, top_idx = jax.lax.top_k(g, 1)
    mask = jnp.zeros_like(g).at[jnp.arange(g.shape[0])[:, None], top_idx].set(1.0)
    sp = jnp.where(mask > 0, g, -jnp.inf)
    sp = jax.nn.softmax(sp, axis=-1)
    sp = jnp.repeat(sp, HID // EXPERTS, axis=-1)
    e2 = e * sp
    out = e2 @ p['out_w'] + p['out_b']
    return out, jax.nn.softmax(g, axis=-1), jax.nn.sigmoid(g_smoid)


def reference(data_p, data_stamp, data_s, params):
    return _forward(data_p, data_stamp, data_s, params)

if __name__ == "__main__":
    import jax
    _d = setup_inputs()
    print(jax.jit(kernel)(*tuple(_d.values())))

</pallas_src>

<mosaic_0001>
#map = affine_map<(d0, d1) -> (0, 0)>
#map1 = affine_map<(d0, d1) -> (0)>
module attributes {stable_mosaic.version = 14 : i64} {
  func.func @_k(%arg0: i32, %arg1: i32, %arg2: memref<26000x8xf32, #tpu.memory_space<hbm>>, %arg3: memref<26000xf32, #tpu.memory_space<hbm>>, %arg4: memref<106496xi32, #tpu.memory_space<hbm>>, %arg5: memref<106496x8xf32, #tpu.memory_space<hbm>>, %arg6: memref<106496xf32, #tpu.memory_space<hbm>>, %arg7: memref<3328xi32, #tpu.memory_space<vmem>>, %arg8: memref<3328x8xf32, #tpu.memory_space<vmem>>, %arg9: memref<3328xf32, #tpu.memory_space<vmem>>, %arg10: memref<26000xf32, #tpu.memory_space<vmem>>, %arg11: memref<!tpu.dma_semaphore, #tpu.memory_space<semaphore_mem>>) attributes {dimension_semantics = [#tpu.dimension_semantics<core_parallel>, #tpu.dimension_semantics<subcore_parallel>], iteration_bounds = array<i64: 2, 16>, scalar_prefetch = 0 : i64, scratch_operands = 5 : i64, tpu.core_type = #tpu.core_type<sc_vector_subcore>, window_params = [{transform_indices = #map}, {transform_indices = #map1}, {transform_indices = #map1}, {transform_indices = #map}, {transform_indices = #map1}]} {
    %mul3A = arith.constant 2 : i32
    %mul3A_0 = arith.muli %arg1, %mul3A : i32
    %add3A = arith.addi %mul3A_0, %arg0 : i32
    %mul3A_1 = arith.constant 3328 : i32
    %mul3A_2 = arith.muli %add3A, %mul3A_1 : i32
    "tpu.region"() ({
      %run_scoped3A = tpu.sem_alloc : memref<!tpu.dma_semaphore, #tpu.memory_space<semaphore_mem>>
      %dma_start3A_13 = tpu.memref_slice %arg4[%mul3A_2] : memref<106496xi32, #tpu.memory_space<hbm>> -> memref<3328xi32, #tpu.memory_space<hbm>>
      %dma_start3A_14 = tpu.memref_slice %arg4[%mul3A_2] : memref<106496xi32, #tpu.memory_space<hbm>> -> memref<3328xi32, #tpu.memory_space<hbm>>
      tpu.enqueue_dma source(%dma_start3A_14 : memref<3328xi32, #tpu.memory_space<hbm>>) target(%arg7 : memref<3328xi32, #tpu.memory_space<vmem>>) target_semaphore(%run_scoped3A : memref<!tpu.dma_semaphore, #tpu.memory_space<semaphore_mem>>)
      %dma_wait3A_15 = tpu.memref_slice %arg4[%mul3A_2] : memref<106496xi32, #tpu.memory_space<hbm>> -> memref<3328xi32, #tpu.memory_space<hbm>>
      %dma_wait3A_16 = tpu.memref_slice %arg4[%mul3A_2] : memref<106496xi32, #tpu.memory_space<hbm>> -> memref<3328xi32, #tpu.memory_space<hbm>>
      tpu.wait_dma2 semaphore(%run_scoped3A : memref<!tpu.dma_semaphore, #tpu.memory_space<semaphore_mem>>) src(%dma_wait3A_16 : memref<3328xi32, #tpu.memory_space<hbm>>) dst(%arg7 : memref<3328xi32, #tpu.memory_space<vmem>>)
      tpu.yield
    }) : () -> ()
    %dma_start3A = arith.constant 0 : i32
    %dma_start3A_3 = arith.constant 0 : i32
    %dma_start3A_4 = tpu.memref_slice %arg2[%dma_start3A, %dma_start3A_3] : memref<26000x8xf32, #tpu.memory_space<hbm>> -> memref<26000x8xf32, #tpu.memory_space<hbm>>
    tpu.enqueue_indirect_dma source(%dma_start3A_4 : memref<26000x8xf32, #tpu.memory_space<hbm>>) target(%arg8 : memref<3328x8xf32, #tpu.memory_space<vmem>>) offsets(%arg7 : memref<3328xi32, #tpu.memory_space<vmem>>) semaphore(%arg11 : memref<!tpu.dma_semaphore, #tpu.memory_space<semaphore_mem>>)
    "tpu.region"() ({
      %run_scoped3A = tpu.sem_alloc : memref<!tpu.dma_semaphore, #tpu.memory_space<semaphore_mem>>
      tpu.enqueue_dma source(%arg3 : memref<26000xf32, #tpu.memory_space<hbm>>) target(%arg10 : memref<26000xf32, #tpu.memory_space<vmem>>) target_semaphore(%run_scoped3A : memref<!tpu.dma_semaphore, #tpu.memory_space<semaphore_mem>>)
      tpu.wait_dma2 semaphore(%run_scoped3A : memref<!tpu.dma_semaphore, #tpu.memory_space<semaphore_mem>>) src(%arg3 : memref<26000xf32, #tpu.memory_space<hbm>>) dst(%arg10 : memref<26000xf32, #tpu.memory_space<vmem>>)
      tpu.yield
    }) : () -> ()
    %scan3A = arith.constant 0 : i32
    %scan3A_5 = arith.constant 0 : i32
    %scan3A_6 = arith.constant 208 : i32
    %scan3A_7 = arith.addi %scan3A_5, %scan3A_6 : i32
    %scan3A_8 = arith.constant 1 : i32
    %scan3A_9 = scf.for %scan3A_13 = %scan3A_5 to %scan3A_7 step %scan3A_8 iter_args(%scan3A_14 = %scan3A) -> (i32)  : i32 {
      %mul3A_15 = arith.constant 16 : i32
      %mul3A_16 = arith.muli %scan3A_13, %mul3A_15 : i32
      %get3A = arith.index_cast %mul3A_16 : i32 to index
      %get3A_17 = tpu.vector_load %arg7[%get3A] {strides = array<i32>} : memref<3328xi32, #tpu.memory_space<vmem>>, vector<16xi32>,
      %gather3A = tpu.vector_load_idx %arg10[%get3A_17] : memref<26000xf32, #tpu.memory_space<vmem>>[vector<16xi32>], vector<16xf32>,
      %mul3A_18 = arith.constant 16 : i32
      %mul3A_19 = arith.muli %scan3A_13, %mul3A_18 : i32
      %swap3A = arith.index_cast %mul3A_19 : i32 to index
      %swap3A_20 = tpu.vector_load %arg9[%swap3A] {strides = array<i32>} : memref<3328xf32, #tpu.memory_space<vmem>>, vector<16xf32>,
      tpu.vector_store %arg9[%swap3A], %gather3A {strides = array<i32>} : memref<3328xf32, #tpu.memory_space<vmem>>, vector<16xf32>,
      %scan3A_21 = arith.constant 0 : i32
      scf.yield %scan3A_21 : i32
    }
    %scan3A_10 = arith.constant 208 : i32
    %dma_wait3A = arith.constant 0 : i32
    %dma_wait3A_11 = arith.constant 0 : i32
    %dma_wait3A_12 = tpu.memref_slice %arg2[%dma_wait3A, %dma_wait3A_11] : memref<26000x8xf32, #tpu.memory_space<hbm>> -> memref<26000x8xf32, #tpu.memory_space<hbm>>
    tpu.wait_indirect_dma semaphore(%arg11 : memref<!tpu.dma_semaphore, #tpu.memory_space<semaphore_mem>>) src(%dma_wait3A_12 : memref<26000x8xf32, #tpu.memory_space<hbm>>) dst(%arg8 : memref<3328x8xf32, #tpu.memory_space<vmem>>)
    "tpu.region"() ({
      %run_scoped3A = tpu.sem_alloc : memref<!tpu.dma_semaphore, #tpu.memory_space<semaphore_mem>>
      %dma_start3A_13 = arith.constant 0 : i32
      %dma_start3A_14 = tpu.memref_slice %arg5[%mul3A_2, %dma_start3A_13] : memref<106496x8xf32, #tpu.memory_space<hbm>> -> memref<3328x8xf32, #tpu.memory_space<hbm>>
      %dma_start3A_15 = arith.constant 0 : i32
      %dma_start3A_16 = tpu.memref_slice %arg5[%mul3A_2, %dma_start3A_15] : memref<106496x8xf32, #tpu.memory_space<hbm>> -> memref<3328x8xf32, #tpu.memory_space<hbm>>
      tpu.enqueue_dma source(%arg8 : memref<3328x8xf32, #tpu.memory_space<vmem>>) target(%dma_start3A_16 : memref<3328x8xf32, #tpu.memory_space<hbm>>) target_semaphore(%run_scoped3A : memref<!tpu.dma_semaphore, #tpu.memory_space<semaphore_mem>>)
      %dma_wait3A_17 = arith.constant 0 : i32
      %dma_wait3A_18 = tpu.memref_slice %arg5[%mul3A_2, %dma_wait3A_17] : memref<106496x8xf32, #tpu.memory_space<hbm>> -> memref<3328x8xf32, #tpu.memory_space<hbm>>
      %dma_wait3A_19 = arith.constant 0 : i32
      %dma_wait3A_20 = tpu.memref_slice %arg5[%mul3A_2, %dma_wait3A_19] : memref<106496x8xf32, #tpu.memory_space<hbm>> -> memref<3328x8xf32, #tpu.memory_space<hbm>>
      tpu.wait_dma2 semaphore(%run_scoped3A : memref<!tpu.dma_semaphore, #tpu.memory_space<semaphore_mem>>) src(%arg8 : memref<3328x8xf32, #tpu.memory_space<vmem>>) dst(%dma_wait3A_20 : memref<3328x8xf32, #tpu.memory_space<hbm>>)
      tpu.yield
    }) : () -> ()
    "tpu.region"() ({
      %run_scoped3A = tpu.sem_alloc : memref<!tpu.dma_semaphore, #tpu.memory_space<semaphore_mem>>
      %dma_start3A_13 = tpu.memref_slice %arg6[%mul3A_2] : memref<106496xf32, #tpu.memory_space<hbm>> -> memref<3328xf32, #tpu.memory_space<hbm>>
      %dma_start3A_14 = tpu.memref_slice %arg6[%mul3A_2] : memref<106496xf32, #tpu.memory_space<hbm>> -> memref<3328xf32, #tpu.memory_space<hbm>>
      tpu.enqueue_dma source(%arg9 : memref<3328xf32, #tpu.memory_space<vmem>>) target(%dma_start3A_14 : memref<3328xf32, #tpu.memory_space<hbm>>) target_semaphore(%run_scoped3A : memref<!tpu.dma_semaphore, #tpu.memory_space<semaphore_mem>>)
      %dma_wait3A_15 = tpu.memref_slice %arg6[%mul3A_2] : memref<106496xf32, #tpu.memory_space<hbm>> -> memref<3328xf32, #tpu.memory_space<hbm>>
      %dma_wait3A_16 = tpu.memref_slice %arg6[%mul3A_2] : memref<106496xf32, #tpu.memory_space<hbm>> -> memref<3328xf32, #tpu.memory_space<hbm>>
      tpu.wait_dma2 semaphore(%run_scoped3A : memref<!tpu.dma_semaphore, #tpu.memory_space<semaphore_mem>>) src(%arg9 : memref<3328xf32, #tpu.memory_space<vmem>>) dst(%dma_wait3A_16 : memref<3328xf32, #tpu.memory_space<hbm>>)
      tpu.yield
    }) : () -> ()
    return
  }
}

module attributes {stable_mosaic.version = 14 : i64} {
  func.func @_tc_kernel(%arg0: i32, %arg1: memref<1024x39xf32, #tpu.memory_space<vmem>>, %arg2: memref<1024x26xf32, #tpu.memory_space<vmem>>, %arg3: memref<1024x208xf32, #tpu.memory_space<vmem>>, %arg4: memref<1024x80xf32, #tpu.memory_space<vmem>>, %arg5: memref<13x1xf32, #tpu.memory_space<vmem>>, %arg6: memref<1x1xf32, #tpu.memory_space<vmem>>, %arg7: memref<208x8xf32, #tpu.memory_space<vmem>>, %arg8: memref<208x256xf32, #tpu.memory_space<vmem>>, %arg9: memref<1x256xf32, #tpu.memory_space<vmem>>, %arg10: memref<256x256xf32, #tpu.memory_space<vmem>>, %arg11: memref<1x256xf32, #tpu.memory_space<vmem>>, %arg12: memref<256x256xf32, #tpu.memory_space<vmem>>, %arg13: memref<1x256xf32, #tpu.memory_space<vmem>>, %arg14: memref<48x256xf32, #tpu.memory_space<vmem>>, %arg15: memref<1x256xf32, #tpu.memory_space<vmem>>, %arg16: memref<768x256xf32, #tpu.memory_space<vmem>>, %arg17: memref<1x256xf32, #tpu.memory_space<vmem>>, %arg18: memref<16x256xf32, #tpu.memory_space<vmem>>, %arg19: memref<1x256xf32, #tpu.memory_space<vmem>>, %arg20: memref<512x256xf32, #tpu.memory_space<vmem>>, %arg21: memref<1x256xf32, #tpu.memory_space<vmem>>, %arg22: memref<256x256xf32, #tpu.memory_space<vmem>>, %arg23: memref<1x256xf32, #tpu.memory_space<vmem>>, %arg24: memref<256x8xf32, #tpu.memory_space<vmem>>, %arg25: memref<1x8xf32, #tpu.memory_space<vmem>>, %arg26: memref<256x8xf32, #tpu.memory_space<vmem>>, %arg27: memref<1x8xf32, #tpu.memory_space<vmem>>, %arg28: memref<256x8xf32, #tpu.memory_space<vmem>>, %arg29: memref<1x1xf32, #tpu.memory_space<vmem>>, %arg30: memref<1024x1xf32, #tpu.memory_space<vmem>>, %arg31: memref<1024x8xf32, #tpu.memory_space<vmem>>, %arg32: memref<1024x8xf32, #tpu.memory_space<vmem>>) attributes {dimension_semantics = [#tpu.dimension_semantics<arbitrary>], iteration_bounds = array<i64: 4>, scalar_prefetch = 0 : i64, scratch_operands = 0 : i64, tpu.core_type = #tpu.core_type<tc>, window_params = [{transform_indices = @transform_0, window_bounds = array<i64: 1024, 39>}, {transform_indices = @transform_1, window_bounds = array<i64: 1024, 26>}, {transform_indices = @transform_2, window_bounds = array<i64: 1024, 208>}, {transform_indices = @transform_3, window_bounds = array<i64: 1024, 80>}, {pipeline_mode = #tpu.pipeline_mode<synchronous>, transform_indices = @transform_4, window_bounds = array<i64: 13, 1>}, {pipeline_mode = #tpu.pipeline_mode<synchronous>, transform_indices = @transform_5, window_bounds = array<i64: 1, 1>}, {pipeline_mode = #tpu.pipeline_mode<synchronous>, transform_indices = @transform_6, window_bounds = array<i64: 208, 8>}, {pipeline_mode = #tpu.pipeline_mode<synchronous>, transform_indices = @transform_7, window_bounds = array<i64: 208, 256>}, {pipeline_mode = #tpu.pipeline_mode<synchronous>, transform_indices = @transform_8, window_bounds = array<i64: 1, 256>}, {pipeline_mode = #tpu.pipeline_mode<synchronous>, transform_indices = @transform_9, window_bounds = array<i64: 256, 256>}, {pipeline_mode = #tpu.pipeline_mode<synchronous>, transform_indices = @transform_10, window_bounds = array<i64: 1, 256>}, {pipeline_mode = #tpu.pipeline_mode<synchronous>, transform_indices = @transform_11, window_bounds = array<i64: 256, 256>}, {pipeline_mode = #tpu.pipeline_mode<synchronous>, transform_indices = @transform_12, window_bounds = array<i64: 1, 256>}, {pipeline_mode = #tpu.pipeline_mode<synchronous>, transform_indices = @transform_13, window_bounds = array<i64: 48, 256>}, {pipeline_mode = #tpu.pipeline_mode<synchronous>, transform_indices = @transform_14, window_bounds = array<i64: 1, 256>}, {pipeline_mode = #tpu.pipeline_mode<synchronous>, transform_indices = @transform_15, window_bounds = array<i64: 768, 256>}, {pipeline_mode = #tpu.pipeline_mode<synchronous>, transform_indices = @transform_16, window_bounds = array<i64: 1, 256>}, {pipeline_mode = #tpu.pipeline_mode<synchronous>, transform_indices = @transform_17, window_bounds = array<i64: 16, 256>}, {pipeline_mode = #tpu.pipeline_mode<synchronous>, transform_indices = @transform_18, window_bounds = array<i64: 1, 256>}, {pipeline_mode = #tpu.pipeline_mode<synchronous>, transform_indices = @transform_19, window_bounds = array<i64: 512, 256>}, {pipeline_mode = #tpu.pipeline_mode<synchronous>, transform_indices = @transform_20, window_bounds = array<i64: 1, 256>}, {pipeline_mode = #tpu.pipeline_mode<synchronous>, transform_indices = @transform_21, window_bounds = array<i64: 256, 256>}, {pipeline_mode = #tpu.pipeline_mode<synchronous>, transform_indices = @transform_22, window_bounds = array<i64: 1, 256>}, {pipeline_mode = #tpu.pipeline_mode<synchronous>, transform_indices = @transform_23, window_bounds = array<i64: 256, 8>}, {pipeline_mode = #tpu.pipeline_mode<synchronous>, transform_indices = @transform_24, window_bounds = array<i64: 1, 8>}, {pipeline_mode = #tpu.pipeline_mode<synchronous>, transform_indices = @transform_25, window_bounds = array<i64: 256, 8>}, {pipeline_mode = #tpu.pipeline_mode<synchronous>, transform_indices = @transform_26, window_bounds = array<i64: 1, 8>}, {pipeline_mode = #tpu.pipeline_mode<synchronous>, transform_indices = @transform_27, window_bounds = array<i64: 256, 8>}, {pipeline_mode = #tpu.pipeline_mode<synchronous>, transform_indices = @transform_28, window_bounds = array<i64: 1, 1>}, {transform_indices = @transform_29, window_bounds = array<i64: 1024, 1>}, {transform_indices = @transform_30, window_bounds = array<i64: 1024, 8>}, {transform_indices = @transform_31, window_bounds = array<i64: 1024, 8>}]} {
    %get3A = arith.constant 0 : index
    %get3A_0 = arith.constant 0 : index
    %get3A_1 = vector.load %arg3[%get3A, %get3A_0] : memref<1024x208xf32, #tpu.memory_space<vmem>>, vector<1024x208xf32>
    %get3A_2 = arith.constant 0 : index
    %get3A_3 = arith.constant 0 : index
    %get3A_4 = vector.load %arg7[%get3A_2, %get3A_3] : memref<208x8xf32, #tpu.memory_space<vmem>>, vector<208x8xf32>
    %dot_general3A = arith.constant dense<0.000000e+00> : vector<1024x8xf32>
    %dot_general3A_5 = tpu.matmul %get3A_1, %get3A_4, %dot_general3A {dimension_numbers = #tpu.dot_dimension_numbers<[1], [0], [0], [1], [0, 0, 1, 1], [], []>, precision = #tpu.contract_precision<fp32>, transpose_lhs_hint = false} : vector<1024x208xf32>, vector<208x8xf32>, vector<1024x8xf32> -> vector<1024x8xf32>
    %mul3A = arith.mulf %get3A_1, %get3A_1 : vector<1024x208xf32>
    %get3A_6 = arith.constant 0 : index
    %get3A_7 = arith.constant 0 : index
    %get3A_8 = vector.load %arg7[%get3A_6, %get3A_7] : memref<208x8xf32, #tpu.memory_space<vmem>>, vector<208x8xf32>
    %dot_general3A_9 = arith.constant dense<0.000000e+00> : vector<1024x8xf32>
    %dot_general3A_10 = tpu.matmul %mul3A, %get3A_8, %dot_general3A_9 {dimension_numbers = #tpu.dot_dimension_numbers<[1], [0], [0], [1], [0, 0, 1, 1], [], []>, precision = #tpu.contract_precision<fp32>, transpose_lhs_hint = false} : vector<1024x208xf32>, vector<208x8xf32>, vector<1024x8xf32> -> vector<1024x8xf32>
    %mul3A_11 = arith.mulf %dot_general3A_5, %dot_general3A_5 : vector<1024x8xf32>
    %sub3A = arith.subf %mul3A_11, %dot_general3A_10 : vector<1024x8xf32>
    %reduce_sum3A = arith.constant dense<0.000000e+00> : vector<1024xf32>
    %reduce_sum3A_12 = vector.multi_reduction <add>, %sub3A, %reduce_sum3A [1] : vector<1024x8xf32> to vector<1024xf32>
    %broadcast_in_dim3A = vector.shape_cast %reduce_sum3A_12 : vector<1024xf32> to vector<1024x1xf32>
    %mul3A_13 = arith.constant 5.000000e-01 : f32
    %mul3A_14 = vector.broadcast %mul3A_13 : f32 to vector<1024x1xf32>
    %mul3A_15 = arith.mulf %mul3A_14, %broadcast_in_dim3A : vector<1024x1xf32>
    %get3A_16 = arith.constant 0 : index
    %get3A_17 = arith.constant 0 : index
    %get3A_18 = vector.load %arg1[%get3A_16, %get3A_17] : memref<1024x39xf32, #tpu.memory_space<vmem>>, vector<1024x39xf32>
    %slice3A = vector.extract_strided_slice %get3A_18 {offsets = [0, 0], sizes = [1024, 13], strides = [1, 1]} : vector<1024x39xf32> to vector<1024x13xf32>
    %get3A_19 = arith.constant 0 : index
    %get3A_20 = arith.constant 0 : index
    %get3A_21 = vector.load %arg5[%get3A_19, %get3A_20] : memref<13x1xf32, #tpu.memory_space<vmem>>, vector<13x1xf32>
    %dot_general3A_22 = arith.constant dense<0.000000e+00> : vector<1024x1xf32>
    %dot_general3A_23 = tpu.matmul %slice3A, %get3A_21, %dot_general3A_22 {dimension_numbers = #tpu.dot_dimension_numbers<[1], [0], [0], [1], [0, 0, 1, 1], [], []>, transpose_lhs_hint = false} : vector<1024x13xf32>, vector<13x1xf32>, vector<1024x1xf32> -> vector<1024x1xf32>
    %get3A_24 = arith.constant 0 : index
    %get3A_25 = arith.constant 0 : index
    %get3A_26 = vector.load %arg6[%get3A_24, %get3A_25] : memref<1x1xf32, #tpu.memory_space<vmem>>, vector<1x1xf32>
    %add3A = vector.broadcast %get3A_26 : vector<1x1xf32> to vector<1024x1xf32>
    %add3A_27 = arith.addf %dot_general3A_23, %add3A : vector<1024x1xf32>
    %get3A_28 = arith.constant 0 : index
    %get3A_29 = arith.constant 0 : index
    %get3A_30 = vector.load %arg2[%get3A_28, %get3A_29] : memref<1024x26xf32, #tpu.memory_space<vmem>>, vector<1024x26xf32>
    %reduce_sum3A_31 = arith.constant dense<0.000000e+00> : vector<1024xf32>
    %reduce_sum3A_32 = vector.multi_reduction <add>, %get3A_30, %reduce_sum3A_31 [1] : vector<1024x26xf32> to vector<1024xf32>
    %broadcast_in_dim3A_33 = vector.shape_cast %reduce_sum3A_32 : vector<1024xf32> to vector<1024x1xf32>
    %add3A_34 = arith.addf %add3A_27, %broadcast_in_dim3A_33 : vector<1024x1xf32>
    %get3A_35 = arith.constant 0 : index
    %get3A_36 = arith.constant 0 : index
    %get3A_37 = vector.load %arg8[%get3A_35, %get3A_36] : memref<208x256xf32, #tpu.memory_space<vmem>>, vector<208x256xf32>
    %dot_general3A_38 = arith.constant dense<0.000000e+00> : vector<1024x256xf32>
    %dot_general3A_39 = tpu.matmul %get3A_1, %get3A_37, %dot_general3A_38 {dimension_numbers = #tpu.dot_dimension_numbers<[1], [0], [0], [1], [0, 0, 1, 1], [], []>, transpose_lhs_hint = false} : vector<1024x208xf32>, vector<208x256xf32>, vector<1024x256xf32> -> vector<1024x256xf32>
    %get3A_40 = arith.constant 0 : index
    %get3A_41 = arith.constant 0 : index
    %get3A_42 = vector.load %arg9[%get3A_40, %get3A_41] : memref<1x256xf32, #tpu.memory_space<vmem>>, vector<1x256xf32>
    %add3A_43 = vector.broadcast %get3A_42 : vector<1x256xf32> to vector<1024x256xf32>
    %add3A_44 = arith.addf %dot_general3A_39, %add3A_43 : vector<1024x256xf32>
    %max3A = arith.constant 0.000000e+00 : f32
    %max3A_45 = vector.broadcast %max3A : f32 to vector<1024x256xf32>
    %max3A_46 = arith.maximumf %add3A_44, %max3A_45 : vector<1024x256xf32>
    %get3A_47 = arith.constant 0 : index
    %get3A_48 = arith.constant 0 : index
    %get3A_49 = vector.load %arg10[%get3A_47, %get3A_48] : memref<256x256xf32, #tpu.memory_space<vmem>>, vector<256x256xf32>
    %dot_general3A_50 = arith.constant dense<0.000000e+00> : vector<1024x256xf32>
    %dot_general3A_51 = tpu.matmul %max3A_46, %get3A_49, %dot_general3A_50 {dimension_numbers = #tpu.dot_dimension_numbers<[1], [0], [0], [1], [0, 0, 1, 1], [], []>, transpose_lhs_hint = false} : vector<1024x256xf32>, vector<256x256xf32>, vector<1024x256xf32> -> vector<1024x256xf32>
    %get3A_52 = arith.constant 0 : index
    %get3A_53 = arith.constant 0 : index
    %get3A_54 = vector.load %arg11[%get3A_52, %get3A_53] : memref<1x256xf32, #tpu.memory_space<vmem>>, vector<1x256xf32>
    %add3A_55 = vector.broadcast %get3A_54 : vector<1x256xf32> to vector<1024x256xf32>
    %add3A_56 = arith.addf %dot_general3A_51, %add3A_55 : vector<1024x256xf32>
    %max3A_57 = arith.constant 0.000000e+00 : f32
    %max3A_58 = vector.broadcast %max3A_57 : f32 to vector<1024x256xf32>
    %max3A_59 = arith.maximumf %add3A_56, %max3A_58 : vector<1024x256xf32>
    %get3A_60 = arith.constant 0 : index
    %get3A_61 = arith.constant 0 : index
    %get3A_62 = vector.load %arg12[%get3A_60, %get3A_61] : memref<256x256xf32, #tpu.memory_space<vmem>>, vector<256x256xf32>
    %dot_general3A_63 = arith.constant dense<0.000000e+00> : vector<1024x256xf32>
    %dot_general3A_64 = tpu.matmul %max3A_59, %get3A_62, %dot_general3A_63 {dimension_numbers = #tpu.dot_dimension_numbers<[1], [0], [0], [1], [0, 0, 1, 1], [], []>, transpose_lhs_hint = false} : vector<1024x256xf32>, vector<256x256xf32>, vector<1024x256xf32> -> vector<1024x256xf32>
    %get3A_65 = arith.constant 0 : index
    %get3A_66 = arith.constant 0 : index
    %get3A_67 = vector.load %arg13[%get3A_65, %get3A_66] : memref<1x256xf32, #tpu.memory_space<vmem>>, vector<1x256xf32>
    %add3A_68 = vector.broadcast %get3A_67 : vector<1x256xf32> to vector<1024x256xf32>
    %add3A_69 = arith.addf %dot_general3A_64, %add3A_68 : vector<1024x256xf32>
    %add3A_70 = vector.broadcast %add3A_34 : vector<1024x1xf32> to vector<1024x256xf32>
    %add3A_71 = arith.addf %add3A_69, %add3A_70 : vector<1024x256xf32>
    %add3A_72 = vector.broadcast %mul3A_15 : vector<1024x1xf32> to vector<1024x256xf32>
    %add3A_73 = arith.addf %add3A_71, %add3A_72 : vector<1024x256xf32>
    %get3A_74 = arith.constant 0 : index
    %get3A_75 = arith.constant 0 : index
    %get3A_76 = vector.load %arg4[%get3A_74, %get3A_75] : memref<1024x80xf32, #tpu.memory_space<vmem>>, vector<1024x80xf32>
    %slice3A_77 = vector.extract_strided_slice %get3A_76 {offsets = [0, 0], sizes = [1024, 48], strides = [1, 1]} : vector<1024x80xf32> to vector<1024x48xf32>
    %get3A_78 = arith.constant 0 : index
    %get3A_79 = arith.constant 0 : index
    %get3A_80 = vector.load %arg14[%get3A_78, %get3A_79] : memref<48x256xf32, #tpu.memory_space<vmem>>, vector<48x256xf32>
    %dot_general3A_81 = arith.constant dense<0.000000e+00> : vector<1024x256xf32>
    %dot_general3A_82 = tpu.matmul %slice3A_77, %get3A_80, %dot_general3A_81 {dimension_numbers = #tpu.dot_dimension_numbers<[1], [0], [0], [1], [0, 0, 1, 1], [], []>, transpose_lhs_hint = false} : vector<1024x48xf32>, vector<48x256xf32>, vector<1024x256xf32> -> vector<1024x256xf32>
    %get3A_83 = arith.constant 0 : index
    %get3A_84 = arith.constant 0 : index
    %get3A_85 = vector.load %arg15[%get3A_83, %get3A_84] : memref<1x256xf32, #tpu.memory_space<vmem>>, vector<1x256xf32>
    %add3A_86 = vector.broadcast %get3A_85 : vector<1x256xf32> to vector<1024x256xf32>
    %add3A_87 = arith.addf %dot_general3A_82, %add3A_86 : vector<1024x256xf32>
    %max3A_88 = arith.constant 0.000000e+00 : f32
    %max3A_89 = vector.broadcast %max3A_88 : f32 to vector<1024x256xf32>
    %max3A_90 = arith.maximumf %add3A_87, %max3A_89 : vector<1024x256xf32>
    %slice3A_91 = vector.extract_strided_slice %get3A_76 {offsets = [0, 16], sizes = [1024, 48], strides = [1, 1]} : vector<1024x80xf32> to vector<1024x48xf32>
    %get3A_92 = arith.constant 0 : index
    %get3A_93 = arith.constant 0 : index
    %get3A_94 = vector.load %arg14[%get3A_92, %get3A_93] : memref<48x256xf32, #tpu.memory_space<vmem>>, vector<48x256xf32>
    %dot_general3A_95 = arith.constant dense<0.000000e+00> : vector<1024x256xf32>
    %dot_general3A_96 = tpu.matmul %slice3A_91, %get3A_94, %dot_general3A_95 {dimension_numbers = #tpu.dot_dimension_numbers<[1], [0], [0], [1], [0, 0, 1, 1], [], []>, transpose_lhs_hint = false} : vector<1024x48xf32>, vector<48x256xf32>, vector<1024x256xf32> -> vector<1024x256xf32>
    %get3A_97 = arith.constant 0 : index
    %get3A_98 = arith.constant 0 : index
    %get3A_99 = vector.load %arg15[%get3A_97, %get3A_98] : memref<1x256xf32, #tpu.memory_space<vmem>>, vector<1x256xf32>
    %add3A_100 = vector.broadcast %get3A_99 : vector<1x256xf32> to vector<1024x256xf32>
    %add3A_101 = arith.addf %dot_general3A_96, %add3A_100 : vector<1024x256xf32>
    %max3A_102 = arith.constant 0.000000e+00 : f32
    %max3A_103 = vector.broadcast %max3A_102 : f32 to vector<1024x256xf32>
    %max3A_104 = arith.maximumf %add3A_101, %max3A_103 : vector<1024x256xf32>
    %slice3A_105 = vector.extract_strided_slice %get3A_76 {offsets = [0, 32], sizes = [1024, 48], strides = [1, 1]} : vector<1024x80xf32> to vector<1024x48xf32>
    %get3A_106 = arith.constant 0 : index
    %get3A_107 = arith.constant 0 : index
    %get3A_108 = vector.load %arg14[%get3A_106, %get3A_107] : memref<48x256xf32, #tpu.memory_space<vmem>>, vector<48x256xf32>
    %dot_general3A_109 = arith.constant dense<0.000000e+00> : vector<1024x256xf32>
    %dot_general3A_110 = tpu.matmul %slice3A_105, %get3A_108, %dot_general3A_109 {dimension_numbers = #tpu.dot_dimension_numbers<[1], [0], [0], [1], [0, 0, 1, 1], [], []>, transpose_lhs_hint = false} : vector<1024x48xf32>, vector<48x256xf32>, vector<1024x256xf32> -> vector<1024x256xf32>
    %get3A_111 = arith.constant 0 : index
    %get3A_112 = arith.constant 0 : index
    %get3A_113 = vector.load %arg15[%get3A_111, %get3A_112] : memref<1x256xf32, #tpu.memory_space<vmem>>, vector<1x256xf32>
    %add3A_114 = vector.broadcast %get3A_113 : vector<1x256xf32> to vector<1024x256xf32>
    %add3A_115 = arith.addf %dot_general3A_110, %add3A_114 : vector<1024x256xf32>
    %max3A_116 = arith.constant 0.000000e+00 : f32
    %max3A_117 = vector.broadcast %max3A_116 : f32 to vector<1024x256xf32>
    %max3A_118 = arith.maximumf %add3A_115, %max3A_117 : vector<1024x256xf32>
    %concatenate3A = tpu.concatenate %max3A_90, %max3A_104, %max3A_118 in 1 : vector<1024x256xf32>, vector<1024x256xf32>, vector<1024x256xf32> -> vector<1024x768xf32>
    %get3A_119 = arith.constant 0 : index
    %get3A_120 = arith.constant 0 : index
    %get3A_121 = vector.load %arg16[%get3A_119, %get3A_120] : memref<768x256xf32, #tpu.memory_space<vmem>>, vector<768x256xf32>
    %dot_general3A_122 = arith.constant dense<0.000000e+00> : vector<1024x256xf32>
    %dot_general3A_123 = tpu.matmul %concatenate3A, %get3A_121, %dot_general3A_122 {dimension_numbers = #tpu.dot_dimension_numbers<[1], [0], [0], [1], [0, 0, 1, 1], [], []>, transpose_lhs_hint = false} : vector<1024x768xf32>, vector<768x256xf32>, vector<1024x256xf32> -> vector<1024x256xf32>
    %get3A_124 = arith.constant 0 : index
    %get3A_125 = arith.constant 0 : index
    %get3A_126 = vector.load %arg17[%get3A_124, %get3A_125] : memref<1x256xf32, #tpu.memory_space<vmem>>, vector<1x256xf32>
    %add3A_127 = vector.broadcast %get3A_126 : vector<1x256xf32> to vector<1024x256xf32>
    %add3A_128 = arith.addf %dot_general3A_123, %add3A_127 : vector<1024x256xf32>
    %max3A_129 = arith.constant 0.000000e+00 : f32
    %max3A_130 = vector.broadcast %max3A_129 : f32 to vector<1024x256xf32>
    %max3A_131 = arith.maximumf %add3A_128, %max3A_130 : vector<1024x256xf32>
    %slice3A_132 = vector.extract_strided_slice %get3A_76 {offsets = [0, 64], sizes = [1024, 16], strides = [1, 1]} : vector<1024x80xf32> to vector<1024x16xf32>
    %get3A_133 = arith.constant 0 : index
    %get3A_134 = arith.constant 0 : index
    %get3A_135 = vector.load %arg18[%get3A_133, %get3A_134] : memref<16x256xf32, #tpu.memory_space<vmem>>, vector<16x256xf32>
    %dot_general3A_136 = arith.constant dense<0.000000e+00> : vector<1024x256xf32>
    %dot_general3A_137 = tpu.matmul %slice3A_132, %get3A_135, %dot_general3A_136 {dimension_numbers = #tpu.dot_dimension_numbers<[1], [0], [0], [1], [0, 0, 1, 1], [], []>, transpose_lhs_hint = false} : vector<1024x16xf32>, vector<16x256xf32>, vector<1024x256xf32> -> vector<1024x256xf32>
    %get3A_138 = arith.constant 0 : index
    %get3A_139 = arith.constant 0 : index
    %get3A_140 = vector.load %arg19[%get3A_138, %get3A_139] : memref<1x256xf32, #tpu.memory_space<vmem>>, vector<1x256xf32>
    %add3A_141 = vector.broadcast %get3A_140 : vector<1x256xf32> to vector<1024x256xf32>
    %add3A_142 = arith.addf %dot_general3A_137, %add3A_141 : vector<1024x256xf32>
    %add3A_143 = arith.addf %max3A_131, %add3A_142 : vector<1024x256xf32>
    %max3A_144 = arith.constant 0.000000e+00 : f32
    %max3A_145 = vector.broadcast %max3A_144 : f32 to vector<1024x256xf32>
    %max3A_146 = arith.maximumf %add3A_143, %max3A_145 : vector<1024x256xf32>
    %concatenate3A_147 = tpu.concatenate %max3A_146, %add3A_73 in 1 : vector<1024x256xf32>, vector<1024x256xf32> -> vector<1024x512xf32>
    %get3A_148 = arith.constant 0 : index
    %get3A_149 = arith.constant 0 : index
    %get3A_150 = vector.load %arg20[%get3A_148, %get3A_149] : memref<512x256xf32, #tpu.memory_space<vmem>>, vector<512x256xf32>
    %dot_general3A_151 = arith.constant dense<0.000000e+00> : vector<1024x256xf32>
    %dot_general3A_152 = tpu.matmul %concatenate3A_147, %get3A_150, %dot_general3A_151 {dimension_numbers = #tpu.dot_dimension_numbers<[1], [0], [0], [1], [0, 0, 1, 1], [], []>, transpose_lhs_hint = false} : vector<1024x512xf32>, vector<512x256xf32>, vector<1024x256xf32> -> vector<1024x256xf32>
    %get3A_153 = arith.constant 0 : index
    %get3A_154 = arith.constant 0 : index
    %get3A_155 = vector.load %arg21[%get3A_153, %get3A_154] : memref<1x256xf32, #tpu.memory_space<vmem>>, vector<1x256xf32>
    %add3A_156 = vector.broadcast %get3A_155 : vector<1x256xf32> to vector<1024x256xf32>
    %add3A_157 = arith.addf %dot_general3A_152, %add3A_156 : vector<1024x256xf32>
    %max3A_158 = arith.constant 0.000000e+00 : f32
    %max3A_159 = vector.broadcast %max3A_158 : f32 to vector<1024x256xf32>
    %max3A_160 = arith.maximumf %add3A_157, %max3A_159 : vector<1024x256xf32>
    %get3A_161 = arith.constant 0 : index
    %get3A_162 = arith.constant 0 : index
    %get3A_163 = vector.load %arg22[%get3A_161, %get3A_162] : memref<256x256xf32, #tpu.memory_space<vmem>>, vector<256x256xf32>
    %dot_general3A_164 = arith.constant dense<0.000000e+00> : vector<1024x256xf32>
    %dot_general3A_165 = tpu.matmul %max3A_160, %get3A_163, %dot_general3A_164 {dimension_numbers = #tpu.dot_dimension_numbers<[1], [0], [0], [1], [0, 0, 1, 1], [], []>, transpose_lhs_hint = false} : vector<1024x256xf32>, vector<256x256xf32>, vector<1024x256xf32> -> vector<1024x256xf32>
    %get3A_166 = arith.constant 0 : index
    %get3A_167 = arith.constant 0 : index
    %get3A_168 = vector.load %arg23[%get3A_166, %get3A_167] : memref<1x256xf32, #tpu.memory_space<vmem>>, vector<1x256xf32>
    %add3A_169 = vector.broadcast %get3A_168 : vector<1x256xf32> to vector<1024x256xf32>
    %add3A_170 = arith.addf %dot_general3A_165, %add3A_169 : vector<1024x256xf32>
    %tanh3A = math.tanh %add3A_170 : vector<1024x256xf32>
    %get3A_171 = arith.constant 0 : index
    %get3A_172 = arith.constant 0 : index
    %get3A_173 = vector.load %arg24[%get3A_171, %get3A_172] : memref<256x8xf32, #tpu.memory_space<vmem>>, vector<256x8xf32>
    %dot_general3A_174 = arith.constant dense<0.000000e+00> : vector<1024x8xf32>
    %dot_general3A_175 = tpu.matmul %tanh3A, %get3A_173, %dot_general3A_174 {dimension_numbers = #tpu.dot_dimension_numbers<[1], [0], [0], [1], [0, 0, 1, 1], [], []>, transpose_lhs_hint = false} : vector<1024x256xf32>, vector<256x8xf32>, vector<1024x8xf32> -> vector<1024x8xf32>
    %get3A_176 = arith.constant 0 : index
    %get3A_177 = arith.constant 0 : index
    %get3A_178 = vector.load %arg25[%get3A_176, %get3A_177] : memref<1x8xf32, #tpu.memory_space<vmem>>, vector<1x8xf32>
    %add3A_179 = vector.broadcast %get3A_178 : vector<1x8xf32> to vector<1024x8xf32>
    %add3A_180 = arith.addf %dot_general3A_175, %add3A_179 : vector<1024x8xf32>
    %get3A_181 = arith.constant 0 : index
    %get3A_182 = arith.constant 0 : index
    %get3A_183 = vector.load %arg26[%get3A_181, %get3A_182] : memref<256x8xf32, #tpu.memory_space<vmem>>, vector<256x8xf32>
    %dot_general3A_184 = arith.constant dense<0.000000e+00> : vector<1024x8xf32>
    %dot_general3A_185 = tpu.matmul %tanh3A, %get3A_183, %dot_general3A_184 {dimension_numbers = #tpu.dot_dimension_numbers<[1], [0], [0], [1], [0, 0, 1, 1], [], []>, transpose_lhs_hint = false} : vector<1024x256xf32>, vector<256x8xf32>, vector<1024x8xf32> -> vector<1024x8xf32>
    %get3A_186 = arith.constant 0 : index
    %get3A_187 = arith.constant 0 : index
    %get3A_188 = vector.load %arg27[%get3A_186, %get3A_187] : memref<1x8xf32, #tpu.memory_space<vmem>>, vector<1x8xf32>
    %add3A_189 = vector.broadcast %get3A_188 : vector<1x8xf32> to vector<1024x8xf32>
    %add3A_190 = arith.addf %dot_general3A_185, %add3A_189 : vector<1024x8xf32>
    %reduce_max3A = arith.constant dense<0xFF800000> : vector<1024xf32>
    %reduce_max3A_191 = vector.multi_reduction <maximumf>, %add3A_180, %reduce_max3A [1] : vector<1024x8xf32> to vector<1024xf32>
    %broadcast_in_dim3A_192 = vector.shape_cast %reduce_max3A_191 : vector<1024xf32> to vector<1024x1xf32>
    %sub3A_193 = vector.broadcast %broadcast_in_dim3A_192 : vector<1024x1xf32> to vector<1024x8xf32>
    %sub3A_194 = arith.subf %add3A_180, %sub3A_193 : vector<1024x8xf32>
    %exp3A = math.exp %sub3A_194 : vector<1024x8xf32>
    %reduce_sum3A_195 = arith.constant dense<0.000000e+00> : vector<1024xf32>
    %reduce_sum3A_196 = vector.multi_reduction <add>, %exp3A, %reduce_sum3A_195 [1] : vector<1024x8xf32> to vector<1024xf32>
    %broadcast_in_dim3A_197 = vector.shape_cast %reduce_sum3A_196 : vector<1024xf32> to vector<1024x1xf32>
    %div3A = vector.broadcast %broadcast_in_dim3A_197 : vector<1024x1xf32> to vector<1024x8xf32>
    %div3A_198 = arith.divf %exp3A, %div3A : vector<1024x8xf32>
    %swap3A = arith.constant 0 : index
    %swap3A_199 = arith.constant 0 : index
    %swap3A_200 = vector.load %arg31[%swap3A, %swap3A_199] : memref<1024x8xf32, #tpu.memory_space<vmem>>, vector<1024x8xf32>
    tpu.vector_store %arg31[%swap3A, %swap3A_199], %div3A_198 {strides = array<i32>} : memref<1024x8xf32, #tpu.memory_space<vmem>>, vector<1024x8xf32>,
    %neg3A = arith.constant 0.000000e+00 : f32
    %neg3A_201 = vector.broadcast %neg3A : f32 to vector<1024x8xf32>
    %neg3A_202 = arith.subf %neg3A_201, %add3A_190 : vector<1024x8xf32>
    %exp3A_203 = math.exp %neg3A_202 : vector<1024x8xf32>
    %add3A_204 = arith.constant 1.000000e+00 : f32
    %add3A_205 = vector.broadcast %add3A_204 : f32 to vector<1024x8xf32>
    %add3A_206 = arith.addf %add3A_205, %exp3A_203 : vector<1024x8xf32>
    %div3A_207 = arith.constant 1.000000e+00 : f32
    %div3A_208 = vector.broadcast %div3A_207 : f32 to vector<1024x8xf32>
    %div3A_209 = arith.divf %div3A_208, %add3A_206 : vector<1024x8xf32>
    %swap3A_210 = arith.constant 0 : index
    %swap3A_211 = arith.constant 0 : index
    %swap3A_212 = vector.load %arg32[%swap3A_210, %swap3A_211] : memref<1024x8xf32, #tpu.memory_space<vmem>>, vector<1024x8xf32>
    tpu.vector_store %arg32[%swap3A_210, %swap3A_211], %div3A_209 {strides = array<i32>} : memref<1024x8xf32, #tpu.memory_space<vmem>>, vector<1024x8xf32>,
    %iota3A = tpu.iota {dimensions = array<i32: 1>} : vector<1024x8xi32>
    %eq3A = vector.broadcast %broadcast_in_dim3A_192 : vector<1024x1xf32> to vector<1024x8xf32>
    %eq3A_213 = arith.cmpf oeq, %add3A_180, %eq3A : vector<1024x8xf32>
    %jit3A = arith.constant 8 : i32
    %broadcast_in_dim3A_214 = vector.broadcast %jit3A : i32 to vector<1024x8xi32>
    %select_n3A = arith.select %eq3A_213, %iota3A, %broadcast_in_dim3A_214 : vector<1024x8xi1>, vector<1024x8xi32>
    %reduce_min3A = arith.constant dense<2147483647> : vector<1024xi32>
    %reduce_min3A_215 = vector.multi_reduction <minsi>, %select_n3A, %reduce_min3A [1] : vector<1024x8xi32> to vector<1024xi32>
    %broadcast_in_dim3A_216 = vector.shape_cast %reduce_min3A_215 : vector<1024xi32> to vector<1024x1xi32>
    %eq3A_217 = vector.broadcast %broadcast_in_dim3A_216 : vector<1024x1xi32> to vector<1024x8xi32>
    %eq3A_218 = arith.cmpi eq, %iota3A, %eq3A_217 : vector<1024x8xi32>
    %convert_element_type3A = arith.extui %eq3A_218 : vector<1024x8xi1> to vector<1024x8xi32>
    %convert_element_type3A_219 = arith.sitofp %convert_element_type3A : vector<1024x8xi32> to vector<1024x8xf32>
    %get3A_220 = arith.constant 0 : index
    %get3A_221 = arith.constant 0 : index
    %get3A_222 = vector.load %arg28[%get3A_220, %get3A_221] : memref<256x8xf32, #tpu.memory_space<vmem>>, vector<256x8xf32>
    %dot_general3A_223 = arith.constant dense<0.000000e+00> : vector<1024x8xf32>
    %dot_general3A_224 = tpu.matmul %max3A_160, %get3A_222, %dot_general3A_223 {dimension_numbers = #tpu.dot_dimension_numbers<[1], [0], [0], [1], [0, 0, 1, 1], [], []>, transpose_lhs_hint = false} : vector<1024x256xf32>, vector<256x8xf32>, vector<1024x8xf32> -> vector<1024x8xf32>
    %mul3A_225 = arith.mulf %dot_general3A_224, %convert_element_type3A_219 : vector<1024x8xf32>
    %reduce_sum3A_226 = arith.constant dense<0.000000e+00> : vector<1024xf32>
    %reduce_sum3A_227 = vector.multi_reduction <add>, %mul3A_225, %reduce_sum3A_226 [1] : vector<1024x8xf32> to vector<1024xf32>
    %broadcast_in_dim3A_228 = vector.shape_cast %reduce_sum3A_227 : vector<1024xf32> to vector<1024x1xf32>
    %get3A_229 = arith.constant 0 : index
    %get3A_230 = arith.constant 0 : index
    %get3A_231 = vector.load %arg29[%get3A_229, %get3A_230] : memref<1x1xf32, #tpu.memory_space<vmem>>, vector<1x1xf32>
    %add3A_232 = vector.broadcast %get3A_231 : vector<1x1xf32> to vector<1024x1xf32>
    %add3A_233 = arith.addf %broadcast_in_dim3A_228, %add3A_232 : vector<1024x1xf32>
    %swap3A_234 = arith.constant 0 : index
    %swap3A_235 = arith.constant 0 : index
    %swap3A_236 = vector.load %arg30[%swap3A_234, %swap3A_235] : memref<1024x1xf32, #tpu.memory_space<vmem>>, vector<1024x1xf32>
    tpu.vector_store %arg30[%swap3A_234, %swap3A_235], %add3A_233 {strides = array<i32>} : memref<1024x1xf32, #tpu.memory_space<vmem>>, vector<1024x1xf32>,
    return
  }
  func.func @transform_0(%arg0: i32) -> (i32, i32) {
    %c0_i32 = arith.constant 0 : i32
    %c0_i32_0 = arith.constant 0 : i32
    return %arg0, %c0_i32 : i32, i32
  }
  func.func @transform_1(%arg0: i32) -> (i32, i32) {
    %c0_i32 = arith.constant 0 : i32
    %c0_i32_0 = arith.constant 0 : i32
    return %arg0, %c0_i32 : i32, i32
  }
  func.func @transform_2(%arg0: i32) -> (i32, i32) {
    %c0_i32 = arith.constant 0 : i32
    %c0_i32_0 = arith.constant 0 : i32
    return %arg0, %c0_i32 : i32, i32
  }
  func.func @transform_3(%arg0: i32) -> (i32, i32) {
    %c0_i32 = arith.constant 0 : i32
    %c0_i32_0 = arith.constant 0 : i32
    return %arg0, %c0_i32 : i32, i32
  }
  func.func @transform_4(%arg0: i32) -> (i32, i32) {
    %c0_i32 = arith.constant 0 : i32
    %c0_i32_0 = arith.constant 0 : i32
    %c0_i32_1 = arith.constant 0 : i32
    return %c0_i32, %c0_i32_0 : i32, i32
  }
  func.func @transform_5(%arg0: i32) -> (i32, i32) {
    %c0_i32 = arith.constant 0 : i32
    %c0_i32_0 = arith.constant 0 : i32
    %c0_i32_1 = arith.constant 0 : i32
    return %c0_i32, %c0_i32_0 : i32, i32
  }
  func.func @transform_6(%arg0: i32) -> (i32, i32) {
    %c0_i32 = arith.constant 0 : i32
    %c0_i32_0 = arith.constant 0 : i32
    %c0_i32_1 = arith.constant 0 : i32
    return %c0_i32, %c0_i32_0 : i32, i32
  }
  func.func @transform_7(%arg0: i32) -> (i32, i32) {
    %c0_i32 = arith.constant 0 : i32
    %c0_i32_0 = arith.constant 0 : i32
    %c0_i32_1 = arith.constant 0 : i32
    return %c0_i32, %c0_i32_0 : i32, i32
  }
  func.func @transform_8(%arg0: i32) -> (i32, i32) {
    %c0_i32 = arith.constant 0 : i32
    %c0_i32_0 = arith.constant 0 : i32
    %c0_i32_1 = arith.constant 0 : i32
    return %c0_i32, %c0_i32_0 : i32, i32
  }
  func.func @transform_9(%arg0: i32) -> (i32, i32) {
    %c0_i32 = arith.constant 0 : i32
    %c0_i32_0 = arith.constant 0 : i32
    %c0_i32_1 = arith.constant 0 : i32
    return %c0_i32, %c0_i32_0 : i32, i32
  }
  func.func @transform_10(%arg0: i32) -> (i32, i32) {
    %c0_i32 = arith.constant 0 : i32
    %c0_i32_0 = arith.constant 0 : i32
    %c0_i32_1 = arith.constant 0 : i32
    return %c0_i32, %c0_i32_0 : i32, i32
  }
  func.func @transform_11(%arg0: i32) -> (i32, i32) {
    %c0_i32 = arith.constant 0 : i32
    %c0_i32_0 = arith.constant 0 : i32
    %c0_i32_1 = arith.constant 0 : i32
    return %c0_i32, %c0_i32_0 : i32, i32
  }
  func.func @transform_12(%arg0: i32) -> (i32, i32) {
    %c0_i32 = arith.constant 0 : i32
    %c0_i32_0 = arith.constant 0 : i32
    %c0_i32_1 = arith.constant 0 : i32
    return %c0_i32, %c0_i32_0 : i32, i32
  }
  func.func @transform_13(%arg0: i32) -> (i32, i32) {
    %c0_i32 = arith.constant 0 : i32
    %c0_i32_0 = arith.constant 0 : i32
    %c0_i32_1 = arith.constant 0 : i32
    return %c0_i32, %c0_i32_0 : i32, i32
  }
  func.func @transform_14(%arg0: i32) -> (i32, i32) {
    %c0_i32 = arith.constant 0 : i32
    %c0_i32_0 = arith.constant 0 : i32
    %c0_i32_1 = arith.constant 0 : i32
    return %c0_i32, %c0_i32_0 : i32, i32
  }
  func.func @transform_15(%arg0: i32) -> (i32, i32) {
    %c0_i32 = arith.constant 0 : i32
    %c0_i32_0 = arith.constant 0 : i32
    %c0_i32_1 = arith.constant 0 : i32
    return %c0_i32, %c0_i32_0 : i32, i32
  }
  func.func @transform_16(%arg0: i32) -> (i32, i32) {
    %c0_i32 = arith.constant 0 : i32
    %c0_i32_0 = arith.constant 0 : i32
    %c0_i32_1 = arith.constant 0 : i32
    return %c0_i32, %c0_i32_0 : i32, i32
  }
  func.func @transform_17(%arg0: i32) -> (i32, i32) {
    %c0_i32 = arith.constant 0 : i32
    %c0_i32_0 = arith.constant 0 : i32
    %c0_i32_1 = arith.constant 0 : i32
    return %c0_i32, %c0_i32_0 : i32, i32
  }
  func.func @transform_18(%arg0: i32) -> (i32, i32) {
    %c0_i32 = arith.constant 0 : i32
    %c0_i32_0 = arith.constant 0 : i32
    %c0_i32_1 = arith.constant 0 : i32
    return %c0_i32, %c0_i32_0 : i32, i32
  }
  func.func @transform_19(%arg0: i32) -> (i32, i32) {
    %c0_i32 = arith.constant 0 : i32
    %c0_i32_0 = arith.constant 0 : i32
    %c0_i32_1 = arith.constant 0 : i32
    return %c0_i32, %c0_i32_0 : i32, i32
  }
  func.func @transform_20(%arg0: i32) -> (i32, i32) {
    %c0_i32 = arith.constant 0 : i32
    %c0_i32_0 = arith.constant 0 : i32
    %c0_i32_1 = arith.constant 0 : i32
    return %c0_i32, %c0_i32_0 : i32, i32
  }
  func.func @transform_21(%arg0: i32) -> (i32, i32) {
    %c0_i32 = arith.constant 0 : i32
    %c0_i32_0 = arith.constant 0 : i32
    %c0_i32_1 = arith.constant 0 : i32
    return %c0_i32, %c0_i32_0 : i32, i32
  }
  func.func @transform_22(%arg0: i32) -> (i32, i32) {
    %c0_i32 = arith.constant 0 : i32
    %c0_i32_0 = arith.constant 0 : i32
    %c0_i32_1 = arith.constant 0 : i32
    return %c0_i32, %c0_i32_0 : i32, i32
  }
  func.func @transform_23(%arg0: i32) -> (i32, i32) {
    %c0_i32 = arith.constant 0 : i32
    %c0_i32_0 = arith.constant 0 : i32
    %c0_i32_1 = arith.constant 0 : i32
    return %c0_i32, %c0_i32_0 : i32, i32
  }
  func.func @transform_24(%arg0: i32) -> (i32, i32) {
    %c0_i32 = arith.constant 0 : i32
    %c0_i32_0 = arith.constant 0 : i32
    %c0_i32_1 = arith.constant 0 : i32
    return %c0_i32, %c0_i32_0 : i32, i32
  }
  func.func @transform_25(%arg0: i32) -> (i32, i32) {
    %c0_i32 = arith.constant 0 : i32
    %c0_i32_0 = arith.constant 0 : i32
    %c0_i32_1 = arith.constant 0 : i32
    return %c0_i32, %c0_i32_0 : i32, i32
  }
  func.func @transform_26(%arg0: i32) -> (i32, i32) {
    %c0_i32 = arith.constant 0 : i32
    %c0_i32_0 = arith.constant 0 : i32
    %c0_i32_1 = arith.constant 0 : i32
    return %c0_i32, %c0_i32_0 : i32, i32
  }
  func.func @transform_27(%arg0: i32) -> (i32, i32) {
    %c0_i32 = arith.constant 0 : i32
    %c0_i32_0 = arith.constant 0 : i32
    %c0_i32_1 = arith.constant 0 : i32
    return %c0_i32, %c0_i32_0 : i32, i32
  }
  func.func @transform_28(%arg0: i32) -> (i32, i32) {
    %c0_i32 = arith.constant 0 : i32
    %c0_i32_0 = arith.constant 0 : i32
    %c0_i32_1 = arith.constant 0 : i32
    return %c0_i32, %c0_i32_0 : i32, i32
  }
  func.func @transform_29(%arg0: i32) -> (i32, i32) {
    %c0_i32 = arith.constant 0 : i32
    %c0_i32_0 = arith.constant 0 : i32
    return %arg0, %c0_i32 : i32, i32
  }
  func.func @transform_30(%arg0: i32) -> (i32, i32) {
    %c0_i32 = arith.constant 0 : i32
    %c0_i32_0 = arith.constant 0 : i32
    return %arg0, %c0_i32 : i32, i32
  }
  func.func @transform_31(%arg0: i32) -> (i32, i32) {
    %c0_i32 = arith.constant 0 : i32
    %c0_i32_0 = arith.constant 0 : i32
    return %arg0, %c0_i32 : i32, i32
  }
}

</mosaic_0001>

<sc_bundles>
// kernel: kernel.4.cloned.1.call-start
scs
__scs_entry_jumppad:
0x0: {  	(pc) =	sbr.rel $0x88, $3  }
0x1: {  	(tag) =	ssettag $0x0;
	lr =	simm.s32 $0x1  }
0x2: {  	[smem:$0x3F85] =	sst lr;
	_ =	strace $0xD0000000  }
0x3: {  	_ = 	snop  }
0x4: {  	_ = 	snop  }
0x5: {  	_ = 	snop  }
0x6: {  	_ = 	snop  }
0x7: {  	_ = 	snop  }
__scs_overlays_trampoline_lowered:
0x8: {  	[smem:$0x3F94] =	sst s0  }
0x9: {  	[smem:$0x3F95] =	sst s1  }
0xa: {  	[smem:$0x3F96] =	sst s2  }
0xb: {  	[smem:$0x3F97] =	sst s3  }
0xc: {  	[smem:$0x3F98] =	sst s4  }
0xd: {  	[smem:$0x3F99] =	sst s5  }
0xe: {  	[smem:$0x3F9A] =	sst s6  }
0xf: {  	[smem:$0x3F9B] =	sst s7  }
0x10: {  	[smem:$0x3F9C] =	sst s8  }
0x11: {  	[smem:$0x3F9D] =	sst s9;
	s0 =	simm.s32 @!p0 $0x0  }
0x12: {  	s1 =	sld [smem:$0x3F83];
	s0 =	simm.s32 @p0 $0x1  }
0x13: {  	[smem:$0x3F9E] =	sst s0;
	s0 =	simm.s32 @!p1 $0x0  }
0x14: {  	s2 =	sld [smem:$0x3F82];
	s0 =	simm.s32 @p1 $0x1  }
0x15: {  	[smem:$0x3F9F] =	sst s0;
	s0 =	simm.s32 @!p2 $0x0  }
0x16: {  	s3 =	sld [smem:$0x3FDB];
	s0 =	simm.s32 @p2 $0x1  }
0x17: {  	s4 =	simm.s32 $0x1BF5;
	[smem:$0x3FA1] =	sst s0  }
0x18: {  	s0 =	sld [smem:$0x3F84];
	_ =	swait.ge [sflag:s4], $0x0  }
0x19: {  	s7 =	sld [smem:$0x3F85]  }
0x1a: {  	s8 =	sadd.s32 $0xFFFFE003, lr  }
0x1b: {  	s9 =	sadd.s32 $0xFFFFFEF7, lr;
	s5 =	simm.s32 $0xFFFFFFFF;
	p2 =	slt.u32 s8, $0xFFFFF086  }
0x1c: {  	p1 =	slt.u32 s9, $0xF7A;
	s5 =	simm.s32 @!p2 $0x0  }
0x1d: {  	s5 =	simm.s32 @p1 $0x1;
	p0 =	seq.s32 s7, s2  }
0x1e: {  	s7 =	smul.u32 @!p0 $0xF7A, s2;
	p2 =	seq.s32 @!p0 s5, $0x0  }
0x1f: {  	s9 =	smul.u32 $0xF7A, s1;
	s8 =	simm.s32 @!p0 $0x1BF5;
	p2 =	por !p2, p0  }
0x20: {  	[sflag:s8] =	ssyncset.s32 @!p0 $0xFFFFF086;
	s6 =	sadd.s32 @!p0 s3, s7;
	s7 =	simm.s32 @!p0 $0x108  }
0x21: {  	s3 =	sadd.s32 s3, s9;
	s6 =	sadd.s32 @!p0 $0x88, s6;
	s7 =	simm.s32 @p2 $0x1082  }
0x22: {  	[simem:s7], [sflag:s8] =	dma.local @!p0 [hbm:s6], $0xF7A  }
0x23: {  	s9 =	sor.u32 $0xD0000000, s2;
	s6 =	simm.s32 $0x108;
	_ =	swait.ge @!p0 [sflag:s8], $0x0  }
0x24: {  	s3 =	sadd.s32 $0x88, s3;
	s6 =	simm.s32 @!p1 $0x1082;
	[sflag:s4] =	ssyncset.s32 $0xFFFFF086  }
0x25: {  	[simem:s6], [sflag:s4] =	dma.local [hbm:s3], $0xF7A  }
0x26: {  	[smem:$0x3F85] =	sst s1;
	(tag) =	ssettag s2;
	_ =	strace s9  }
0x27: {  	s1 =	sld [smem:$0x3F95]  }
0x28: {  	s2 =	sld [smem:$0x3F96]  }
0x29: {  	s4 =	sld [smem:$0x3F98]  }
0x2a: {  	p0 =	seq.s32 s5, $0x0;
	s5 =	sld [smem:$0x3F99]  }
0x2b: {  	s6 =	sld [smem:$0x3F9A]  }
0x2c: {  	s7 =	sld [smem:$0x3F9B]  }
0x2d: {  	s3 =	simm.s32 $0x108;
	s8 =	sld [smem:$0x3F9C]  }
0x2e: {  	s3 =	simm.s32 @!p0 $0x1082;
	s9 =	sld [smem:$0x3F9D]  }
0x2f: {  	lr =	sadd.s32 s0, s3;
	s0 =	sld [smem:$0x3F94]  }
0x30: {  	s3 =	sld [smem:$0x3F97]  }
0x31: {  	[smem:$0x3FA0] =	sst s10  }
0x32: {  	s10 =	sld [smem:$0x3F9E];
	_ =	sdelay $0x3  }
0x33: {  	p0 =	seq.s32 s10, $0x1;
	s10 =	sld [smem:$0x3FA0];
	_ =	sdelay $0x3  }
0x34: {  	[smem:$0x3FA0] =	sst s10  }
0x35: {  	s10 =	sld [smem:$0x3F9F];
	_ =	sdelay $0x3  }
0x36: {  	p1 =	seq.s32 s10, $0x1;
	s10 =	sld [smem:$0x3FA0];
	_ =	sdelay $0x3  }
0x37: {  	[smem:$0x3FA0] =	sst s10  }
0x38: {  	s10 =	sld [smem:$0x3FA1]  }
0x39: {  	_ = 	snop;
	(pc) =	sbr.ind lr, $3  }
0x3a: {  	_ = 	snop  }
0x3b: {  	_ = 	snop  }
0x3c: {  	p2 =	seq.s32 s10, $0x1;
	s10 =	sld [smem:$0x3FA0]  }
0x3d: {  	_ =	shalt  }
0x3e: {  	_ =	shalt  }
0x3f: {  	_ =	shalt  }
0x40: {  	_ =	shalt  }
0x41: {  	_ =	shalt  }
0x42: {  	_ =	shalt  }
0x43: {  	_ =	shalt  }
0x44: {  	_ =	shalt  }
0x45: {  	_ =	shalt  }
0x46: {  	_ =	shalt  }
0x47: {  	_ =	shalt  }
0x48: {  	_ =	shalt  }
0x49: {  	_ =	shalt  }
0x4a: {  	_ =	shalt  }
0x4b: {  	_ =	shalt  }
0x4c: {  	_ =	shalt  }
0x4d: {  	_ =	shalt  }
0x4e: {  	_ =	shalt  }
0x4f: {  	_ =	shalt  }
0x50: {  	_ =	shalt  }
0x51: {  	_ =	shalt  }
0x52: {  	_ =	shalt  }
0x53: {  	_ =	shalt  }
0x54: {  	_ =	shalt  }
0x55: {  	_ =	shalt  }
0x56: {  	_ =	shalt  }
0x57: {  	_ =	shalt  }
0x58: {  	_ =	shalt  }
0x59: {  	_ =	shalt  }
0x5a: {  	_ =	shalt  }
0x5b: {  	_ =	shalt  }
0x5c: {  	_ =	shalt  }
0x5d: {  	_ =	shalt  }
0x5e: {  	_ =	shalt  }
0x5f: {  	_ =	shalt  }
0x60: {  	_ =	shalt  }
0x61: {  	_ =	shalt  }
0x62: {  	_ =	shalt  }
0x63: {  	_ =	shalt  }
0x64: {  	_ =	shalt  }
0x65: {  	_ =	shalt  }
0x66: {  	_ =	shalt  }
0x67: {  	_ =	shalt  }
0x68: {  	_ =	shalt  }
0x69: {  	_ =	shalt  }
0x6a: {  	_ =	shalt  }
0x6b: {  	_ =	shalt  }
0x6c: {  	_ =	shalt  }
0x6d: {  	_ =	shalt  }
0x6e: {  	_ =	shalt  }
0x6f: {  	_ =	shalt  }
0x70: {  	_ =	shalt  }
0x71: {  	_ =	shalt  }
0x72: {  	_ =	shalt  }
0x73: {  	_ =	shalt  }
0x74: {  	_ =	shalt  }
0x75: {  	_ =	shalt  }
0x76: {  	_ =	shalt  }
0x77: {  	_ =	shalt  }
0x78: {  	_ =	shalt  }
0x79: {  	_ =	shalt  }
0x7a: {  	_ =	shalt  }
0x7b: {  	_ =	shalt  }
0x7c: {  	_ =	shalt  }
0x7d: {  	_ =	shalt  }
0x7e: {  	_ =	shalt  }
0x7f: {  	_ =	shalt  }
0x80: {  	_ =	shalt  }
0x81: {  	_ =	shalt  }
0x82: {  	_ =	shalt  }
0x83: {  	_ =	shalt  }
0x84: {  	_ =	shalt  }
0x85: {  	_ =	shalt  }
0x86: {  	_ =	shalt  }
0x87: {  	_ =	shalt  }
.Lfunc_end0:
.L_simem_size_0:
called_computation_lowered:
.L_overlay_start_0:
0x88: {  	s2 =	sld [smem:$0x3FD9]  }
0x89: {  	s3 =	sld [smem:$0x3FFE];
	_ =	sdelay $0x1  }
0x8a: {  	s1 =	srdreg.scid  }
0x8b: {  	s0 =	sand.u32 $0x1, s1  }
0x8c: {  	s14 =	sshll.u32 s0, $0xA;
	s2 =	sadd.s32 s3, s2  }
0x8d: {  	s2 =	sadd.s32 s2, s14  }
0x8e: {  	[smem:$0x3FAC] =	sst s2  }
0x8f: {  	_ = 	snop  }
0x90: {  	s2 =	sld [smem:$0x3FD0];
	_ =	sdelay $0x2  }
0x91: {  	s15 =	simm.s32 $0xA;
	s4 =	simm.s32 $0x10  }
0x92: {  	[smem:s4], [sflag:s15] =	dma.local [hbm:s2], $0x1  }
0x93: {  	_ =	swait.eq [sflag:s15], $0x1  }
0x94: {  	[sflag:s15] =	ssyncset.done $0x0  }
0x95: {  	[sflag:s15] =	ssyncadd.s32 $0xFFFFFFFF  }
0x96: {  	s16 =	sld [smem:$0x12];
	(tm) =	ssettm $0x1  }
0x97: {  	s17 =	sld [smem:$0x3FFB];
	_ =	sdelay $0x3  }
0x98: {  	_ =	strace s17  }
0x99: {  	s3 =	sld [smem:$0x3FFC];
	_ =	sdelay $0x3  }
0x9a: {  	_ =	strace s3  }
0x9b: {  	s3 =	sld [smem:$0x3FFD];
	_ =	sdelay $0x3  }
0x9c: {  	_ =	strace s3  }
0x9d: {  	_ =	strace $0x8FFFFFFF  }
0x9e: {  	s18 =	sld [smem:$0x3FDB];
	_ =	sdelay $0x1  }
0x9f: {  	s19 =	simm.s32 $_scs_section_size  }
0xa0: {  	s5 =	simm.s32 $_size__tile_overlayer_lowered;
	s6 =	simm.s32 $_tile_overlayer_lowered  }
0xa1: {  	s22 =	simm.s32 $0x1BFF;
	s21 =	sshll.u32 s6, $0x1;
	s3 =	sadd.s32 s19, s18  }
0xa2: {  	s7 =	simm.s32 $0x0;
	s20 =	sshll.u32 s5, $0x1;
	s5 =	sadd.s32 s21, s3  }
0xa3: {  	[timem:s7], [sflag:s22] =	dma.local [hbm:s5], s20  }
0xa4: {  	_ =	swait.ge [sflag:s22], s20  }
0xa5: {  	s4 =	ssub.s32 $0x0, s20;
	[sflag:s22] =	ssyncset.done $0x0  }
0xa6: {  	[sflag:s22] =	ssyncadd.s32 s4;
	_ =	sdelay $0x1  }
0xa7: {  	s23 =	simm.s32 $0x1B8B  }
0xa8: {  	_ =	swait.ge [sflag:s23], $0x1  }
0xa9: {  	[sflag:s23] =	ssyncset.done $0x0  }
0xaa: {  	s25 =	simm.s32 $0x1B8E;
	s24 =	sld [smem:$0x3FFE];
	[sflag:s23] =	ssyncadd.s32 $0xFFFFFFFF  }
0xab: {  	s26 =	simm.s32 $execute0_lowered;
	[smem:$0x3FD2] =	sst s25  }
0xac: {  	s5 =	sshll.u32 s26, $0x1;
	_ =	strace $0x80000046;
	[dreg:$0x1] =	wrdreg $0xFFFFFFFF  }
0xad: {  	s28 =	simm.s32 $_size_execute0_lowered;
	s3 =	sadd.s32 s3, s5;
	[dreg:$0x0] =	wrdreg $0x0  }
0xae: {  	s5 =	sshll.u32 s28, $0x1;
	[dreg:$0x2] =	wrdreg s3  }
0xaf: {  	[dreg:$0x3] =	wrdreg s5  }
0xb0: {  	[dreg:$0x4] =	wrdreg $0xC0  }
0xb1: {  	_ =	task [dreg:s7], $0x5FFFF  }
0xb2: {  	[dreg:$0x1] =	wrdreg $0xFFFFFFFF  }
0xb3: {  	[dreg:$0x0] =	wrdreg $0x60  }
0xb4: {  	[dreg:$0x2] =	wrdreg s24  }
0xb5: {  	[dreg:$0x3] =	wrdreg s16  }
0xb6: {  	[dreg:$0x4] =	wrdreg $0x9  }
0xb7: {  	_ =	task.clear_ibuf [dreg:s7], $0x5FFFF;
	_ =	strace $0x90000046  }
0xb8: {  	s29 =	simm.s32 $0x9;
	_ =	strace $0x80000048  }
0xb9: {  	_ =	swait.ge [sflag:s29], $0x1  }
0xba: {  	[sflag:s29] =	ssyncadd.s32 $0xFFFFFFFF  }
0xbb: {  	_ =	strace $0x90000048  }
0xbc: {  	_ =	sfence  }
0xbd: {  	s30 =	sld [smem:$0x0];
	_ =	sdelay $0x2  }
0xbe: {  	s31 =	sshll.u32 s1, $0xD;
	s1 =	sshrl.u32 s1, $0x2  }
0xbf: {  	s3 =	sand.u32 $0x4000, s31;
	s1 =	sadd.s32 s1, s30  }
0xc0: {  	s0 =	sor.u32 s3, s0;
	s1 =	sshll.u32 s1, $0x11  }
0xc1: {  	s0 =	sor.u32 s1, s0  }
0xc2: {  	s0 =	sadd.s32 $0x8F2B, s0  }
0xc3: {  	[sflag:s0] =	ssyncadd.remote.s32 $0x1  }
0xc4: {  	_ =	sfence.sel $0xFFFF  }
0xc5: {  	[dreg:$0x0] =	wrdreg $0xFFFFFFFF;
	(pc) =	sbr.abs _section_cstart, $3  }
0xc6: {  	[dreg:$0x1] =	wrdreg $0xFFFFFFFF  }
0xc7: {  	_ =	task.clear_ibuf [dreg:s7], $0x2FFFF;
	_ =	strace $0x9FFFFFFF  }
0xc8: {  	(tm) =	ssettm $0x7FFFFFFF  }
0xc9: {  	_ =	shalt  }
tec
execute0_lowered:
.L_overlay_start_1:
0x0: {  	(tag) =	ssettag $0x1  }
0x1: {  	s5 =	rddreg [dreg:$0x0];
	s1 =	srdreg.scid  }
0x2: {  	s0 =	stileid.u32;
	s2 =	rddreg [dreg:$0x1];
	s3 =	simm.s32 $0x0  }
0x3: {  	s10 =	simm.s32 $0xD00;
	s11 =	simm.s32 $0x8200;
	s12 =	simm.s32 $0x1  }
0x4: {  	s13 =	simm.s32 $0x7500;
	s4 =	sand.u32 $0x1, s1;
	s6 =	sshll.u32 s0, $0x1  }
0x5: {  	s14 =	simm.s32 $0x0;
	s1 =	rddreg [dreg:$0x2];
	s6 =	sor.u32 s4, s6  }
0x6: {  	[smem:$0x7FF] =	sst s3;
	s8 =	ssub.s32 $0x2, s4;
	s7 =	smul.u32 $0x1A0, s6  }
0x7: {  	_ =	strace $0x80000047;
	s6 =	smul.u32 $0xD00, s6;
	s9 =	sshrl.u32 s8, $0x1  }
0x8: {  	s4 =	sadd.s32 $0x4000, s5;
	s8 =	ssub.s32 s8, s9;
	s9 =	simm.s32 $0x2  }
0x9: {  	s7 =	sadd.s32 s7, s5;
	s6 =	sadd.s32 s6, s5;
	s8 =	smax.u32 s8, $0x1  }
0xa: {  	s5 =	sadd.s32 $0xA600, s7;
	s6 =	sadd.s32 $0xDA00, s6;
	s7 =	sadd.s32 $0x27A00, s7  }
.LBB2_1:
0xb: {  	[tilespmem:s3], [sflag:$0x2] =	stream.linear.gather [hbm4b:s5+s3], $0xD00, $0x38;
	[tilespmem:$0xE790] =	vst v63  }
0xc: {  	_ =	swait.ge [sflag:s9], $0xD00  }
0xd: {  	[sflag:s9] =	ssyncset.done $0x0  }
0xe: {  	[sflag:s9] =	ssyncadd.s32 $0xFFFFF300  }
0xf: {  	[tilespmem:s10], [sflag:$0x1] =	stream.indirect.gather [hbm4b:s4+s10], $0x8, s3, s10, $0xb8;
	[tilespmem:$0xE790] =	vst v63  }
0x10: {  	_ = 	snop  }
0x11: {  	[tilespmem:s11], [sflag:$0x2] =	stream.linear.gather [hbm4b:s2+s3], $0x6590, $0x38;
	[tilespmem:$0xE790] =	vst v63  }
0x12: {  	_ =	swait.ge [sflag:s9], $0x6590  }
0x13: {  	[sflag:s9] =	ssyncset.done $0x0  }
0x14: {  	s15 =	simm.s32 $0x0;
	[sflag:s9] =	ssyncadd.s32 $0xFFFF9A70  }
0x15: {  	v0 =	vld [tilespmem:s15+$0x0];
	_ =	sdelay $0x7  }
0x16: {  	s16 =	simm.s32 $0x10;
	s17 =	simm.s32 $0x80;
	v0 =	vld.idx.msk [tilespmem:v0+s11+$0x0], $0xffff  }
.LBB2_2:
0x17: {  	p0 =	sne.s32 s17, $0x33C0;
	v1 =	vld [tilespmem:s16+$0x0];
	_ =	sdelay $0x3  }
.Ltmp0:
0x18: {  	(pc) =	sbr.rel @p0 .LBB2_2-.Ltmp0, $2  }
0x19: {  	[tilespmem:s15+$0x7500] =	vst v0;
	s15 =	smov.u32 s16;
	_ =	sdelay $0x2  }
0x1a: {  	s16 =	sshra.s32 s17, $0x2;
	s17 =	sadd.s32 $0x40, s17;
	v0 =	vld.idx.msk [tilespmem:v1+s11+$0x0], $0xffff  }
0x1b: {  	v1 =	vld [tilespmem:s16+$0x0];
	_ =	sdelay $0x6  }
0x1c: {  	[tilespmem:s15+$0x7500] =	vst v0  }
0x1d: {  	v0 =	vld.idx.msk [tilespmem:v1+s11+$0x0], $0xffff;
	_ =	sdelay $0x4  }
0x1e: {  	[tilespmem:s16+$0x7500] =	vst v0  }
0x1f: {  	_ =	swait.ge [sflag:s12], $0x6800  }
0x20: {  	[sflag:s12] =	ssyncset.done $0x0  }
0x21: {  	[sflag:s12] =	ssyncadd.s32 $0xFFFF9800  }
0x22: {  	[hbm4b:s6+s3] =	stream.linear.scatter [tilespmem:s10], [sflag:$0x2], $0x6800, $0x38;
	[tilespmem:$0xE790] =	vst v63  }
0x23: {  	s14 =	sadd.s32 $0x1, s14;
	_ =	swait.ge [sflag:s9], $0x6800  }
0x24: {  	p0 =	sne.s32 s14, s8;
	[sflag:s9] =	ssyncset.done $0x0  }
.Ltmp1:
0x25: {  	[sflag:s9] =	ssyncadd.s32 $0xFFFF9800;
	(pc) =	sbr.rel @p0 .LBB2_1-.Ltmp1, $4  }
0x26: {  	[hbm4b:s7+s3] =	stream.linear.scatter [tilespmem:s13], [sflag:$0x2], $0xD00, $0x38;
	[tilespmem:$0xE790] =	vst v63  }
0x27: {  	_ =	swait.ge [sflag:s9], $0xD00  }
0x28: {  	[sflag:s9] =	ssyncset.done $0x0  }
0x29: {  	[sflag:s9] =	ssyncadd.s32 $0xFFFFF300  }
0x2a: {  	_ =	sfence.sel $0x180000  }
0x2b: {  	[bflag:$0x0] =	sbarrier.arrive $0xFFFF  }
0x2c: {  	p0 =	sne.s32 s0, $0x0;
	_ =	strace $0x90000047  }
0x2d: {  	s0 =	sadd.s32 @!p0 $0x100000, s1;
	[bflag:$0x2] =	sbarrier.arrive $0xFFFF  }
0x2e: {  	[sflag:s0] =	ssyncadd.tile.s32 @!p0 $0x1;
	_ =	shalt  }
.Lfunc_end2:
_tile_overlayer_lowered:
.L_overlay_start_2:
0x2f: {  	(tag) =	ssettag $0x2  }
0x30: {  	s0 =	rddreg [dreg:$0x0];
	s2 =	stileid.u32  }
0x31: {  	s1 =	rddreg [dreg:$0x1];
	p0 =	sne.s32 s2, $0x0  }
0x32: {  	s3 =	rddreg [dreg:$0x2];
	[bflag:$0x3] =	sbarrier.arrive $0xFFFF;
	s2 =	simm.s32 @!p0 $0x1C02  }
0x33: {  	[timem:s3], [sflag:s2] =	dma.local @!p0 [hbm:s0], s1  }
0x34: {  	s0 =	simm.s32 @!p0 $0x2  }
0x35: {  	_ =	swait.ge @!p0 [sflag:s0], s1  }
0x36: {  	s1 =	ssub.s32 @!p0 $0x0, s1;
	[sflag:s0] =	ssyncset.done @!p0 $0x0  }
0x37: {  	[sflag:s0] =	ssyncadd.s32 @!p0 s1  }
0x38: {  	[bflag:$0x3] =	sbarrier.arrive $0xFFFF  }
0x39: {  	_ =	shalt  }

</sc_bundles>
